<compile_context>
chip_gen: v7x
topology: tpu7x:2x2x1
jax: 0.10.2.dev20260603
libtpu: 0.0.44.dev20260713+nightly
codegen_flags: <defaults>
</compile_context>

<pallas_src>
import functools

import jax
import jax.numpy as jnp
from jax import lax
from jax.experimental import pallas as pl
from jax.experimental.pallas import tpu as pltpu
from jax.experimental.pallas import tpu_sc as plsc

_IOU_THR = 0.6
_SCORE_THR = 0.05
_OV_FACTOR = _IOU_THR / (1.0 + _IOU_THR)

_BI = 1280
_NW = 32
_CHUNK = 80


def _rank_body(bx_ref, sR_ref, sT_ref, rank_ref, vals_ref):
    b = pl.program_id(0)
    Bi = sR_ref.shape[0]
    Np = sT_ref.shape[1]
    sr = sR_ref[:, :]
    sc = sT_ref[:, :]
    ir = b * Bi + lax.broadcasted_iota(jnp.int32, (Bi, 1), 0)
    ic = lax.broadcasted_iota(jnp.int32, (1, Np), 1)
    dom = (sc > sr) | ((sc == sr) & (ic < ir))
    rank = jnp.sum(jnp.where(dom, 1.0, 0.0), axis=1, keepdims=True)
    rank_ref[:, :] = rank.astype(jnp.int32)
    vals_ref[:, :] = jnp.concatenate(
        [bx_ref[:, :], sr, jnp.zeros((Bi, 123), jnp.float32)], axis=1)


def _make_supp_body(row0):
    def _supp_body(svb_ref, tc_ref, out_ref):
        b = pl.program_id(0)
        Bi = svb_ref.shape[0]
        W = tc_ref.shape[1]
        rows = svb_ref[:, 0:16]
        x1r, y1r = rows[:, 0:1], rows[:, 1:2]
        x2r, y2r = rows[:, 2:3], rows[:, 3:4]
        sr = rows[:, 4:5]
        tar = _OV_FACTOR * ((x2r - x1r) * (y2r - y1r))
        ir = row0 + b * Bi + lax.broadcasted_iota(jnp.int32, (Bi, 1), 0)
        x1c = tc_ref[0:1, :]
        y1c = tc_ref[1:2, :]
        x2c = tc_ref[2:3, :]
        y2c = tc_ref[3:4, :]
        tac = _OV_FACTOR * ((x2c - x1c) * (y2c - y1c))
        ic = lax.broadcasted_iota(jnp.int32, (1, W), 1)
        iw = jnp.maximum(jnp.minimum(x2r, x2c) - jnp.maximum(x1r, x1c), 0.0)
        ih = jnp.minimum(y2r, y2c) - jnp.maximum(y1r, y1c)
        hit = (iw * ih > tar + tac) & (ic < ir)
        supp = jnp.sum(jnp.where(hit, 1.0, 0.0), axis=1, keepdims=True) > 0.0
        keepf = jnp.where((~supp) & (sr > _SCORE_THR), 1.0, 0.0)
        out_ref[:, :] = rows * keepf
    return _supp_body


def _make_sc_scatter(n_pad):
    b_per_w = n_pad // _NW
    n_chunks = b_per_w // _CHUNK
    assert b_per_w % _CHUNK == 0
    mesh = plsc.VectorSubcoreMesh(core_axis_name="c", subcore_axis_name="s")

    @functools.partial(
        pl.kernel,
        mesh=mesh,
        out_type=jax.ShapeDtypeStruct((n_pad, 128), jnp.float32),
        scratch_types=(
            [pltpu.VMEM((_CHUNK,), jnp.int32) for _ in range(n_chunks)]
            + [pltpu.VMEM((_CHUNK, 128), jnp.float32) for _ in range(n_chunks)]
            + [pltpu.SemaphoreType.DMA]
        ),
    )
    def scatter(rank_hbm, vals_hbm, out_hbm, *scr):
        idxs = scr[:n_chunks]
        rows = scr[n_chunks:2 * n_chunks]
        sem = scr[2 * n_chunks]
        wid = lax.axis_index("s") * 2 + lax.axis_index("c")
        base = wid * b_per_w
        loads = []
        for q in range(n_chunks):
            loads.append(pltpu.async_copy(
                rank_hbm.at[pl.ds(base + q * _CHUNK, _CHUNK)], idxs[q], sem))
            loads.append(pltpu.async_copy(
                vals_hbm.at[pl.ds(base + q * _CHUNK, _CHUNK)], rows[q], sem))
        for c in loads:
            c.wait()
        stores = [pltpu.async_copy(rows[q], out_hbm.at[idxs[q]], sem)
                  for q in range(n_chunks)]
        for c in stores:
            c.wait()

    return scatter


def _supp_call(sorted_vals, tc, row0, nrows):
    blk0 = row0 // _BI
    return pl.pallas_call(
        _make_supp_body(row0),
        grid=(nrows // _BI,),
        in_specs=[
            pl.BlockSpec((_BI, 128), lambda b: (b + blk0, 0)),
            pl.BlockSpec(tc.shape, lambda b: (0, 0)),
        ],
        out_specs=pl.BlockSpec((_BI, 16), lambda b: (b, 0)),
        out_shape=jax.ShapeDtypeStruct((nrows, 16), jnp.float32),
    )(sorted_vals, tc)


def kernel(boxes, scores):
    n = boxes.shape[0]
    n_pad = ((n + 255) // 256) * 256
    pad = n_pad - n
    s = scores.astype(jnp.float32)
    bx = jnp.pad(boxes.astype(jnp.float32), ((0, pad), (0, 0)))
    sR = jnp.pad(s, (0, pad), constant_values=-1.0)[:, None]
    sT = sR.reshape(1, n_pad)

    rank, vals = pl.pallas_call(
        _rank_body,
        grid=(n_pad // _BI,),
        in_specs=[
            pl.BlockSpec((_BI, 4), lambda b: (b, 0)),
            pl.BlockSpec((_BI, 1), lambda b: (b, 0)),
            pl.BlockSpec((1, n_pad), lambda b: (0, 0)),
        ],
        out_specs=[
            pl.BlockSpec((_BI, 1), lambda b: (b, 0)),
            pl.BlockSpec((_BI, 128), lambda b: (b, 0)),
        ],
        out_shape=[
            jax.ShapeDtypeStruct((n_pad, 1), jnp.int32),
            jax.ShapeDtypeStruct((n_pad, 128), jnp.float32),
        ],
    )(bx, sR, sT)

    sorted_vals = _make_sc_scatter(n_pad)(rank.reshape(n_pad), vals)

    tc = jnp.transpose(sorted_vals[:, 0:8], (1, 0))

    half = (n_pad // 2 // _BI) * _BI
    out_lo = _supp_call(sorted_vals, tc[:, :half], 0, half)
    out_hi = _supp_call(sorted_vals, tc, half, n_pad - half)
    out = jnp.concatenate([out_lo, out_hi], axis=0)
    return out[:n, :5]

# --- scband reference (transcript-rebuilt; emitter-appended) ---
"""Pipeline reference for scband-fcos-11141145166405 (READ-ONLY COPY).

The authoritative reference and input builder live on the scoring server;
editing this copy changes nothing except your own understanding.
"""

import jax, jax.numpy as jnp
import numpy as np

IOU_THRESHOLD = 0.6
SCORE_THRESHOLD = 0.05
N = 5000


def setup_inputs(seed: int = 0) -> dict:
    key = jax.random.key(seed)
    k1, k2, k3 = jax.random.split(key, 3)
    xy = jax.random.uniform(k1, (N, 2), dtype=jnp.float32) * 900.0
    wh = jax.random.uniform(k2, (N, 2), dtype=jnp.float32) * 100.0 + 10.0
    boxes = jnp.concatenate([xy, xy + wh], axis=1)
    scores = jax.random.uniform(k3, (N,), dtype=jnp.float32)
    return {"boxes": boxes, "scores": scores}


def _pairwise_iou(b, eps=1e-6):
    # faithful to bbox_overlaps(..., mode='iou', is_aligned=False)
    x1, y1, x2, y2 = b[:, 0], b[:, 1], b[:, 2], b[:, 3]
    area = (x2 - x1) * (y2 - y1)
    ix1 = jnp.maximum(x1[:, None], x1[None, :])
    iy1 = jnp.maximum(y1[:, None], y1[None, :])
    ix2 = jnp.minimum(x2[:, None], x2[None, :])
    iy2 = jnp.minimum(y2[:, None], y2[None, :])
    iw = jnp.clip(ix2 - ix1, 0.0, None)
    ih = jnp.clip(iy2 - iy1, 0.0, None)
    overlap = iw * ih
    union = jnp.maximum(area[:, None] + area[None, :] - overlap, eps)
    return overlap / union


def reference(boxes, scores):
    # FCOS post-processing NMS (vectorized / Fast-NMS formulation):
    # sort by score desc, compute dense pairwise IoU with bbox_overlaps math,
    # suppress any box whose IoU with a higher-scored box exceeds the threshold.
    order = jnp.argsort(-scores)
    b = jnp.take(boxes, order, axis=0)
    s = jnp.take(scores, order, axis=0)
    iou = _pairwise_iou(b)
    n = b.shape[0]
    upper = jnp.triu(jnp.ones((n, n), dtype=bool), k=1)
    iou_u = jnp.where(upper, iou, 0.0)
    max_iou = jnp.max(iou_u, axis=0)
    keep = (max_iou <= IOU_THRESHOLD) & (s > SCORE_THRESHOLD)
    keepf = keep.astype(b.dtype)
    out = jnp.concatenate([b * keepf[:, None], (s * keepf)[:, None]], axis=1)
    return out

if __name__ == "__main__":
    import jax
    _d = setup_inputs()
    print(jax.jit(kernel)(*tuple(_d.values())))

</pallas_src>

<mosaic_0001>
#map = affine_map<(d0, d1) -> (0)>
#map1 = affine_map<(d0, d1) -> (0, 0)>
module attributes {stable_mosaic.version = 14 : i64} {
  func.func @scatter(%arg0: i32, %arg1: i32, %arg2: memref<5120xi32, #tpu.memory_space<hbm>>, %arg3: memref<5120x128xf32, #tpu.memory_space<hbm>>, %arg4: memref<5120x128xf32, #tpu.memory_space<hbm>>, %arg5: memref<80xi32, #tpu.memory_space<vmem>>, %arg6: memref<80xi32, #tpu.memory_space<vmem>>, %arg7: memref<80x128xf32, #tpu.memory_space<vmem>>, %arg8: memref<80x128xf32, #tpu.memory_space<vmem>>, %arg9: memref<!tpu.dma_semaphore, #tpu.memory_space<semaphore_mem>>) attributes {dimension_semantics = [#tpu.dimension_semantics<core_parallel>, #tpu.dimension_semantics<subcore_parallel>], iteration_bounds = array<i64: 2, 16>, scalar_prefetch = 0 : i64, scratch_operands = 5 : i64, tpu.core_type = #tpu.core_type<sc_vector_subcore>, window_params = [{transform_indices = #map}, {transform_indices = #map1}, {transform_indices = #map1}]} {
    %mul3A = arith.constant 2 : i32
    %mul3A_0 = arith.muli %arg1, %mul3A : i32
    %add3A = arith.addi %mul3A_0, %arg0 : i32
    %mul3A_1 = arith.constant 160 : i32
    %mul3A_2 = arith.muli %add3A, %mul3A_1 : i32
    %add3A_3 = arith.constant 0 : i32
    %add3A_4 = arith.addi %mul3A_2, %add3A_3 : i32
    %dma_start3A = tpu.memref_slice %arg2[%add3A_4] : memref<5120xi32, #tpu.memory_space<hbm>> -> memref<80xi32, #tpu.memory_space<hbm>>
    %dma_start3A_5 = tpu.memref_slice %arg2[%add3A_4] : memref<5120xi32, #tpu.memory_space<hbm>> -> memref<80xi32, #tpu.memory_space<hbm>>
    tpu.enqueue_dma source(%dma_start3A_5 : memref<80xi32, #tpu.memory_space<hbm>>) target(%arg5 : memref<80xi32, #tpu.memory_space<vmem>>) target_semaphore(%arg9 : memref<!tpu.dma_semaphore, #tpu.memory_space<semaphore_mem>>)
    %add3A_6 = arith.constant 0 : i32
    %add3A_7 = arith.addi %mul3A_2, %add3A_6 : i32
    %dma_start3A_8 = arith.constant 0 : i32
    %dma_start3A_9 = tpu.memref_slice %arg3[%add3A_7, %dma_start3A_8] : memref<5120x128xf32, #tpu.memory_space<hbm>> -> memref<80x128xf32, #tpu.memory_space<hbm>>
    %dma_start3A_10 = arith.constant 0 : i32
    %dma_start3A_11 = tpu.memref_slice %arg3[%add3A_7, %dma_start3A_10] : memref<5120x128xf32, #tpu.memory_space<hbm>> -> memref<80x128xf32, #tpu.memory_space<hbm>>
    tpu.enqueue_dma source(%dma_start3A_11 : memref<80x128xf32, #tpu.memory_space<hbm>>) target(%arg7 : memref<80x128xf32, #tpu.memory_space<vmem>>) target_semaphore(%arg9 : memref<!tpu.dma_semaphore, #tpu.memory_space<semaphore_mem>>)
    %add3A_12 = arith.constant 80 : i32
    %add3A_13 = arith.addi %mul3A_2, %add3A_12 : i32
    %dma_start3A_14 = tpu.memref_slice %arg2[%add3A_13] : memref<5120xi32, #tpu.memory_space<hbm>> -> memref<80xi32, #tpu.memory_space<hbm>>
    %dma_start3A_15 = tpu.memref_slice %arg2[%add3A_13] : memref<5120xi32, #tpu.memory_space<hbm>> -> memref<80xi32, #tpu.memory_space<hbm>>
    tpu.enqueue_dma source(%dma_start3A_15 : memref<80xi32, #tpu.memory_space<hbm>>) target(%arg6 : memref<80xi32, #tpu.memory_space<vmem>>) target_semaphore(%arg9 : memref<!tpu.dma_semaphore, #tpu.memory_space<semaphore_mem>>)
    %add3A_16 = arith.constant 80 : i32
    %add3A_17 = arith.addi %mul3A_2, %add3A_16 : i32
    %dma_start3A_18 = arith.constant 0 : i32
    %dma_start3A_19 = tpu.memref_slice %arg3[%add3A_17, %dma_start3A_18] : memref<5120x128xf32, #tpu.memory_space<hbm>> -> memref<80x128xf32, #tpu.memory_space<hbm>>
    %dma_start3A_20 = arith.constant 0 : i32
    %dma_start3A_21 = tpu.memref_slice %arg3[%add3A_17, %dma_start3A_20] : memref<5120x128xf32, #tpu.memory_space<hbm>> -> memref<80x128xf32, #tpu.memory_space<hbm>>
    tpu.enqueue_dma source(%dma_start3A_21 : memref<80x128xf32, #tpu.memory_space<hbm>>) target(%arg8 : memref<80x128xf32, #tpu.memory_space<vmem>>) target_semaphore(%arg9 : memref<!tpu.dma_semaphore, #tpu.memory_space<semaphore_mem>>)
    %dma_wait3A = tpu.memref_slice %arg2[%add3A_4] : memref<5120xi32, #tpu.memory_space<hbm>> -> memref<80xi32, #tpu.memory_space<hbm>>
    %dma_wait3A_22 = tpu.memref_slice %arg2[%add3A_4] : memref<5120xi32, #tpu.memory_space<hbm>> -> memref<80xi32, #tpu.memory_space<hbm>>
    tpu.wait_dma2 semaphore(%arg9 : memref<!tpu.dma_semaphore, #tpu.memory_space<semaphore_mem>>) src(%dma_wait3A_22 : memref<80xi32, #tpu.memory_space<hbm>>) dst(%arg5 : memref<80xi32, #tpu.memory_space<vmem>>)
    %dma_wait3A_23 = arith.constant 0 : i32
    %dma_wait3A_24 = tpu.memref_slice %arg3[%add3A_7, %dma_wait3A_23] : memref<5120x128xf32, #tpu.memory_space<hbm>> -> memref<80x128xf32, #tpu.memory_space<hbm>>
    %dma_wait3A_25 = arith.constant 0 : i32
    %dma_wait3A_26 = tpu.memref_slice %arg3[%add3A_7, %dma_wait3A_25] : memref<5120x128xf32, #tpu.memory_space<hbm>> -> memref<80x128xf32, #tpu.memory_space<hbm>>
    tpu.wait_dma2 semaphore(%arg9 : memref<!tpu.dma_semaphore, #tpu.memory_space<semaphore_mem>>) src(%dma_wait3A_26 : memref<80x128xf32, #tpu.memory_space<hbm>>) dst(%arg7 : memref<80x128xf32, #tpu.memory_space<vmem>>)
    %dma_wait3A_27 = tpu.memref_slice %arg2[%add3A_13] : memref<5120xi32, #tpu.memory_space<hbm>> -> memref<80xi32, #tpu.memory_space<hbm>>
    %dma_wait3A_28 = tpu.memref_slice %arg2[%add3A_13] : memref<5120xi32, #tpu.memory_space<hbm>> -> memref<80xi32, #tpu.memory_space<hbm>>
    tpu.wait_dma2 semaphore(%arg9 : memref<!tpu.dma_semaphore, #tpu.memory_space<semaphore_mem>>) src(%dma_wait3A_28 : memref<80xi32, #tpu.memory_space<hbm>>) dst(%arg6 : memref<80xi32, #tpu.memory_space<vmem>>)
    %dma_wait3A_29 = arith.constant 0 : i32
    %dma_wait3A_30 = tpu.memref_slice %arg3[%add3A_17, %dma_wait3A_29] : memref<5120x128xf32, #tpu.memory_space<hbm>> -> memref<80x128xf32, #tpu.memory_space<hbm>>
    %dma_wait3A_31 = arith.constant 0 : i32
    %dma_wait3A_32 = tpu.memref_slice %arg3[%add3A_17, %dma_wait3A_31] : memref<5120x128xf32, #tpu.memory_space<hbm>> -> memref<80x128xf32, #tpu.memory_space<hbm>>
    tpu.wait_dma2 semaphore(%arg9 : memref<!tpu.dma_semaphore, #tpu.memory_space<semaphore_mem>>) src(%dma_wait3A_32 : memref<80x128xf32, #tpu.memory_space<hbm>>) dst(%arg8 : memref<80x128xf32, #tpu.memory_space<vmem>>)
    %dma_start3A_33 = arith.constant 0 : i32
    %dma_start3A_34 = arith.constant 0 : i32
    %dma_start3A_35 = tpu.memref_slice %arg4[%dma_start3A_33, %dma_start3A_34] : memref<5120x128xf32, #tpu.memory_space<hbm>> -> memref<5120x128xf32, #tpu.memory_space<hbm>>
    tpu.enqueue_indirect_dma source(%arg7 : memref<80x128xf32, #tpu.memory_space<vmem>>) target(%dma_start3A_35 : memref<5120x128xf32, #tpu.memory_space<hbm>>) offsets(%arg5 : memref<80xi32, #tpu.memory_space<vmem>>) semaphore(%arg9 : memref<!tpu.dma_semaphore, #tpu.memory_space<semaphore_mem>>)
    %dma_start3A_36 = arith.constant 0 : i32
    %dma_start3A_37 = arith.constant 0 : i32
    %dma_start3A_38 = tpu.memref_slice %arg4[%dma_start3A_36, %dma_start3A_37] : memref<5120x128xf32, #tpu.memory_space<hbm>> -> memref<5120x128xf32, #tpu.memory_space<hbm>>
    tpu.enqueue_indirect_dma source(%arg8 : memref<80x128xf32, #tpu.memory_space<vmem>>) target(%dma_start3A_38 : memref<5120x128xf32, #tpu.memory_space<hbm>>) offsets(%arg6 : memref<80xi32, #tpu.memory_space<vmem>>) semaphore(%arg9 : memref<!tpu.dma_semaphore, #tpu.memory_space<semaphore_mem>>)
    %dma_wait3A_39 = arith.constant 0 : i32
    %dma_wait3A_40 = arith.constant 0 : i32
    %dma_wait3A_41 = tpu.memref_slice %arg4[%dma_wait3A_39, %dma_wait3A_40] : memref<5120x128xf32, #tpu.memory_space<hbm>> -> memref<5120x128xf32, #tpu.memory_space<hbm>>
    tpu.wait_indirect_dma semaphore(%arg9 : memref<!tpu.dma_semaphore, #tpu.memory_space<semaphore_mem>>) src(%arg7 : memref<80x128xf32, #tpu.memory_space<vmem>>) dst(%dma_wait3A_41 : memref<5120x128xf32, #tpu.memory_space<hbm>>)
    %dma_wait3A_42 = arith.constant 0 : i32
    %dma_wait3A_43 = arith.constant 0 : i32
    %dma_wait3A_44 = tpu.memref_slice %arg4[%dma_wait3A_42, %dma_wait3A_43] : memref<5120x128xf32, #tpu.memory_space<hbm>> -> memref<5120x128xf32, #tpu.memory_space<hbm>>
    tpu.wait_indirect_dma semaphore(%arg9 : memref<!tpu.dma_semaphore, #tpu.memory_space<semaphore_mem>>) src(%arg8 : memref<80x128xf32, #tpu.memory_space<vmem>>) dst(%dma_wait3A_44 : memref<5120x128xf32, #tpu.memory_space<hbm>>)
    return
  }
}

module attributes {stable_mosaic.version = 14 : i64} {
  func.func @_rank_body(%arg0: i32, %arg1: memref<1280x4xf32, #tpu.memory_space<vmem>>, %arg2: memref<1280x1xf32, #tpu.memory_space<vmem>>, %arg3: memref<1x5120xf32, #tpu.memory_space<vmem>>, %arg4: memref<1280x1xi32, #tpu.memory_space<vmem>>, %arg5: memref<1280x128xf32, #tpu.memory_space<vmem>>) attributes {dimension_semantics = [#tpu.dimension_semantics<arbitrary>], iteration_bounds = array<i64: 4>, scalar_prefetch = 0 : i64, scratch_operands = 0 : i64, tpu.core_type = #tpu.core_type<tc>, window_params = [{transform_indices = @transform_0, window_bounds = array<i64: 1280, 4>}, {transform_indices = @transform_1, window_bounds = array<i64: 1280, 1>}, {pipeline_mode = #tpu.pipeline_mode<synchronous>, transform_indices = @transform_2, window_bounds = array<i64: 1, 5120>}, {transform_indices = @transform_3, window_bounds = array<i64: 1280, 1>}, {transform_indices = @transform_4, window_bounds = array<i64: 1280, 128>}]} {
    %get3A = arith.constant 0 : index
    %get3A_0 = arith.constant 0 : index
    %get3A_1 = vector.load %arg2[%get3A, %get3A_0] : memref<1280x1xf32, #tpu.memory_space<vmem>>, vector<1280x1xf32>
    %get3A_2 = arith.constant 0 : index
    %get3A_3 = arith.constant 0 : index
    %get3A_4 = vector.load %arg3[%get3A_2, %get3A_3] : memref<1x5120xf32, #tpu.memory_space<vmem>>, vector<1x5120xf32>
    %mul3A = arith.constant 1280 : i32
    %mul3A_5 = arith.muli %arg0, %mul3A : i32
    %iota3A = tpu.iota {dimensions = array<i32: 0>} : vector<1280x1xi32>
    %add3A = vector.broadcast %mul3A_5 : i32 to vector<1280x1xi32>
    %add3A_6 = arith.addi %add3A, %iota3A : vector<1280x1xi32>
    %iota3A_7 = tpu.iota {dimensions = array<i32: 1>} : vector<1x5120xi32>
    %gt3A = vector.broadcast %get3A_4 : vector<1x5120xf32> to vector<1280x5120xf32>
    %gt3A_8 = vector.broadcast %get3A_1 : vector<1280x1xf32> to vector<1280x5120xf32>
    %gt3A_9 = arith.cmpf ogt, %gt3A, %gt3A_8 : vector<1280x5120xf32>
    %eq3A = vector.broadcast %get3A_4 : vector<1x5120xf32> to vector<1280x5120xf32>
    %eq3A_10 = vector.broadcast %get3A_1 : vector<1280x1xf32> to vector<1280x5120xf32>
    %eq3A_11 = arith.cmpf oeq, %eq3A, %eq3A_10 : vector<1280x5120xf32>
    %lt3A = vector.broadcast %iota3A_7 : vector<1x5120xi32> to vector<1280x5120xi32>
    %lt3A_12 = vector.broadcast %add3A_6 : vector<1280x1xi32> to vector<1280x5120xi32>
    %lt3A_13 = arith.cmpi slt, %lt3A, %lt3A_12 : vector<1280x5120xi32>
    %and3A = arith.andi %eq3A_11, %lt3A_13 : vector<1280x5120xi1>
    %or3A = arith.ori %gt3A_9, %and3A : vector<1280x5120xi1>
    %jit3A = arith.constant 1.000000e+00 : f32
    %jit3A_14 = arith.constant 0.000000e+00 : f32
    %broadcast_in_dim3A = vector.broadcast %jit3A : f32 to vector<1280x5120xf32>
    %broadcast_in_dim3A_15 = vector.broadcast %jit3A_14 : f32 to vector<1280x5120xf32>
    %select_n3A = arith.select %or3A, %broadcast_in_dim3A, %broadcast_in_dim3A_15 : vector<1280x5120xi1>, vector<1280x5120xf32>
    %reduce_sum3A = arith.constant dense<0.000000e+00> : vector<1280xf32>
    %reduce_sum3A_16 = vector.multi_reduction <add>, %select_n3A, %reduce_sum3A [1] : vector<1280x5120xf32> to vector<1280xf32>
    %broadcast_in_dim3A_17 = vector.shape_cast %reduce_sum3A_16 : vector<1280xf32> to vector<1280x1xf32>
    %convert_element_type3A = arith.fptosi %broadcast_in_dim3A_17 : vector<1280x1xf32> to vector<1280x1xi32>
    %swap3A = arith.constant 0 : index
    %swap3A_18 = arith.constant 0 : index
    %swap3A_19 = vector.load %arg4[%swap3A, %swap3A_18] : memref<1280x1xi32, #tpu.memory_space<vmem>>, vector<1280x1xi32>
    tpu.vector_store %arg4[%swap3A, %swap3A_18], %convert_element_type3A {strides = array<i32>} : memref<1280x1xi32, #tpu.memory_space<vmem>>, vector<1280x1xi32>,
    %get3A_20 = arith.constant 0 : index
    %get3A_21 = arith.constant 0 : index
    %get3A_22 = vector.load %arg1[%get3A_20, %get3A_21] : memref<1280x4xf32, #tpu.memory_space<vmem>>, vector<1280x4xf32>
    %broadcast_in_dim3A_23 = arith.constant 0.000000e+00 : f32
    %broadcast_in_dim3A_24 = vector.broadcast %broadcast_in_dim3A_23 : f32 to vector<1280x123xf32>
    %concatenate3A = tpu.concatenate %get3A_22, %get3A_1, %broadcast_in_dim3A_24 in 1 : vector<1280x4xf32>, vector<1280x1xf32>, vector<1280x123xf32> -> vector<1280x128xf32>
    %swap3A_25 = arith.constant 0 : index
    %swap3A_26 = arith.constant 0 : index
    %swap3A_27 = vector.load %arg5[%swap3A_25, %swap3A_26] : memref<1280x128xf32, #tpu.memory_space<vmem>>, vector<1280x128xf32>
    tpu.vector_store %arg5[%swap3A_25, %swap3A_26], %concatenate3A {strides = array<i32>} : memref<1280x128xf32, #tpu.memory_space<vmem>>, vector<1280x128xf32>,
    return
  }
  func.func @transform_0(%arg0: i32) -> (i32, i32) {
    %c0_i32 = arith.constant 0 : i32
    %c0_i32_0 = arith.constant 0 : i32
    return %arg0, %c0_i32 : i32, i32
  }
  func.func @transform_1(%arg0: i32) -> (i32, i32) {
    %c0_i32 = arith.constant 0 : i32
    %c0_i32_0 = arith.constant 0 : i32
    return %arg0, %c0_i32 : i32, i32
  }
  func.func @transform_2(%arg0: i32) -> (i32, i32) {
    %c0_i32 = arith.constant 0 : i32
    %c0_i32_0 = arith.constant 0 : i32
    %c0_i32_1 = arith.constant 0 : i32
    return %c0_i32, %c0_i32_0 : i32, i32
  }
  func.func @transform_3(%arg0: i32) -> (i32, i32) {
    %c0_i32 = arith.constant 0 : i32
    %c0_i32_0 = arith.constant 0 : i32
    return %arg0, %c0_i32 : i32, i32
  }
  func.func @transform_4(%arg0: i32) -> (i32, i32) {
    %c0_i32 = arith.constant 0 : i32
    %c0_i32_0 = arith.constant 0 : i32
    return %arg0, %c0_i32 : i32, i32
  }
}

module attributes {stable_mosaic.version = 14 : i64} {
  func.func @_supp_body(%arg0: i32, %arg1: memref<1280x128xf32, #tpu.memory_space<vmem>>, %arg2: memref<8x2560xf32, #tpu.memory_space<vmem>>, %arg3: memref<1280x16xf32, #tpu.memory_space<vmem>>) attributes {dimension_semantics = [#tpu.dimension_semantics<arbitrary>], iteration_bounds = array<i64: 2>, scalar_prefetch = 0 : i64, scratch_operands = 0 : i64, tpu.core_type = #tpu.core_type<tc>, window_params = [{transform_indices = @transform_0, window_bounds = array<i64: 1280, 128>}, {pipeline_mode = #tpu.pipeline_mode<synchronous>, transform_indices = @transform_1, window_bounds = array<i64: 8, 2560>}, {transform_indices = @transform_2, window_bounds = array<i64: 1280, 16>}]} {
    %get3A = arith.constant 0 : index
    %get3A_0 = arith.constant 0 : index
    %get3A_1 = vector.load %arg1[%get3A, %get3A_0] : memref<1280x128xf32, #tpu.memory_space<vmem>>, vector<1280x16xf32>
    %slice3A = vector.extract_strided_slice %get3A_1 {offsets = [0, 0], sizes = [1280, 1], strides = [1, 1]} : vector<1280x16xf32> to vector<1280x1xf32>
    %slice3A_2 = vector.extract_strided_slice %get3A_1 {offsets = [0, 1], sizes = [1280, 1], strides = [1, 1]} : vector<1280x16xf32> to vector<1280x1xf32>
    %slice3A_3 = vector.extract_strided_slice %get3A_1 {offsets = [0, 2], sizes = [1280, 1], strides = [1, 1]} : vector<1280x16xf32> to vector<1280x1xf32>
    %slice3A_4 = vector.extract_strided_slice %get3A_1 {offsets = [0, 3], sizes = [1280, 1], strides = [1, 1]} : vector<1280x16xf32> to vector<1280x1xf32>
    %slice3A_5 = vector.extract_strided_slice %get3A_1 {offsets = [0, 4], sizes = [1280, 1], strides = [1, 1]} : vector<1280x16xf32> to vector<1280x1xf32>
    %sub3A = arith.subf %slice3A_3, %slice3A : vector<1280x1xf32>
    %sub3A_6 = arith.subf %slice3A_4, %slice3A_2 : vector<1280x1xf32>
    %mul3A = arith.mulf %sub3A, %sub3A_6 : vector<1280x1xf32>
    %mul3A_7 = arith.constant 3.750000e-01 : f32
    %mul3A_8 = vector.broadcast %mul3A_7 : f32 to vector<1280x1xf32>
    %mul3A_9 = arith.mulf %mul3A_8, %mul3A : vector<1280x1xf32>
    %mul3A_10 = arith.constant 1280 : i32
    %mul3A_11 = arith.muli %arg0, %mul3A_10 : i32
    %add3A = arith.constant 0 : i32
    %add3A_12 = arith.addi %add3A, %mul3A_11 : i32
    %iota3A = tpu.iota {dimensions = array<i32: 0>} : vector<1280x1xi32>
    %add3A_13 = vector.broadcast %add3A_12 : i32 to vector<1280x1xi32>
    %add3A_14 = arith.addi %add3A_13, %iota3A : vector<1280x1xi32>
    %get3A_15 = arith.constant 0 : index
    %get3A_16 = arith.constant 0 : index
    %get3A_17 = vector.load %arg2[%get3A_15, %get3A_16] : memref<8x2560xf32, #tpu.memory_space<vmem>>, vector<1x2560xf32>
    %get3A_18 = arith.constant 1 : index
    %get3A_19 = arith.constant 0 : index
    %get3A_20 = vector.load %arg2[%get3A_18, %get3A_19] : memref<8x2560xf32, #tpu.memory_space<vmem>>, vector<1x2560xf32>
    %get3A_21 = arith.constant 2 : index
    %get3A_22 = arith.constant 0 : index
    %get3A_23 = vector.load %arg2[%get3A_21, %get3A_22] : memref<8x2560xf32, #tpu.memory_space<vmem>>, vector<1x2560xf32>
    %get3A_24 = arith.constant 3 : index
    %get3A_25 = arith.constant 0 : index
    %get3A_26 = vector.load %arg2[%get3A_24, %get3A_25] : memref<8x2560xf32, #tpu.memory_space<vmem>>, vector<1x2560xf32>
    %sub3A_27 = arith.subf %get3A_23, %get3A_17 : vector<1x2560xf32>
    %sub3A_28 = arith.subf %get3A_26, %get3A_20 : vector<1x2560xf32>
    %mul3A_29 = arith.mulf %sub3A_27, %sub3A_28 : vector<1x2560xf32>
    %mul3A_30 = arith.constant 3.750000e-01 : f32
    %mul3A_31 = vector.broadcast %mul3A_30 : f32 to vector<1x2560xf32>
    %mul3A_32 = arith.mulf %mul3A_31, %mul3A_29 : vector<1x2560xf32>
    %iota3A_33 = tpu.iota {dimensions = array<i32: 1>} : vector<1x2560xi32>
    %min3A = vector.broadcast %slice3A_3 : vector<1280x1xf32> to vector<1280x2560xf32>
    %min3A_34 = vector.broadcast %get3A_23 : vector<1x2560xf32> to vector<1280x2560xf32>
    %min3A_35 = arith.minimumf %min3A, %min3A_34 : vector<1280x2560xf32>
    %max3A = vector.broadcast %slice3A : vector<1280x1xf32> to vector<1280x2560xf32>
    %max3A_36 = vector.broadcast %get3A_17 : vector<1x2560xf32> to vector<1280x2560xf32>
    %max3A_37 = arith.maximumf %max3A, %max3A_36 : vector<1280x2560xf32>
    %sub3A_38 = arith.subf %min3A_35, %max3A_37 : vector<1280x2560xf32>
    %max3A_39 = arith.constant 0.000000e+00 : f32
    %max3A_40 = vector.broadcast %max3A_39 : f32 to vector<1280x2560xf32>
    %max3A_41 = arith.maximumf %sub3A_38, %max3A_40 : vector<1280x2560xf32>
    %min3A_42 = vector.broadcast %slice3A_4 : vector<1280x1xf32> to vector<1280x2560xf32>
    %min3A_43 = vector.broadcast %get3A_26 : vector<1x2560xf32> to vector<1280x2560xf32>
    %min3A_44 = arith.minimumf %min3A_42, %min3A_43 : vector<1280x2560xf32>
    %max3A_45 = vector.broadcast %slice3A_2 : vector<1280x1xf32> to vector<1280x2560xf32>
    %max3A_46 = vector.broadcast %get3A_20 : vector<1x2560xf32> to vector<1280x2560xf32>
    %max3A_47 = arith.maximumf %max3A_45, %max3A_46 : vector<1280x2560xf32>
    %sub3A_48 = arith.subf %min3A_44, %max3A_47 : vector<1280x2560xf32>
    %mul3A_49 = arith.mulf %max3A_41, %sub3A_48 : vector<1280x2560xf32>
    %add3A_50 = vector.broadcast %mul3A_9 : vector<1280x1xf32> to vector<1280x2560xf32>
    %add3A_51 = vector.broadcast %mul3A_32 : vector<1x2560xf32> to vector<1280x2560xf32>
    %add3A_52 = arith.addf %add3A_50, %add3A_51 : vector<1280x2560xf32>
    %gt3A = arith.cmpf ogt, %mul3A_49, %add3A_52 : vector<1280x2560xf32>
    %lt3A = vector.broadcast %iota3A_33 : vector<1x2560xi32> to vector<1280x2560xi32>
    %lt3A_53 = vector.broadcast %add3A_14 : vector<1280x1xi32> to vector<1280x2560xi32>
    %lt3A_54 = arith.cmpi slt, %lt3A, %lt3A_53 : vector<1280x2560xi32>
    %and3A = arith.andi %gt3A, %lt3A_54 : vector<1280x2560xi1>
    %jit3A = arith.constant 1.000000e+00 : f32
    %jit3A_55 = arith.constant 0.000000e+00 : f32
    %broadcast_in_dim3A = vector.broadcast %jit3A : f32 to vector<1280x2560xf32>
    %broadcast_in_dim3A_56 = vector.broadcast %jit3A_55 : f32 to vector<1280x2560xf32>
    %select_n3A = arith.select %and3A, %broadcast_in_dim3A, %broadcast_in_dim3A_56 : vector<1280x2560xi1>, vector<1280x2560xf32>
    %reduce_sum3A = arith.constant dense<0.000000e+00> : vector<1280xf32>
    %reduce_sum3A_57 = vector.multi_reduction <add>, %select_n3A, %reduce_sum3A [1] : vector<1280x2560xf32> to vector<1280xf32>
    %broadcast_in_dim3A_58 = vector.shape_cast %reduce_sum3A_57 : vector<1280xf32> to vector<1280x1xf32>
    %gt3A_59 = arith.constant 0.000000e+00 : f32
    %gt3A_60 = vector.broadcast %gt3A_59 : f32 to vector<1280x1xf32>
    %gt3A_61 = arith.cmpf ogt, %broadcast_in_dim3A_58, %gt3A_60 : vector<1280x1xf32>
    %not3A = arith.constant dense<true> : vector<1280x1xi1>
    %not3A_62 = arith.xori %gt3A_61, %not3A : vector<1280x1xi1>
    %gt3A_63 = arith.constant 5.000000e-02 : f32
    %gt3A_64 = vector.broadcast %gt3A_63 : f32 to vector<1280x1xf32>
    %gt3A_65 = arith.cmpf ogt, %slice3A_5, %gt3A_64 : vector<1280x1xf32>
    %and3A_66 = arith.andi %not3A_62, %gt3A_65 : vector<1280x1xi1>
    %jit3A_67 = arith.constant 1.000000e+00 : f32
    %jit3A_68 = arith.constant 0.000000e+00 : f32
    %broadcast_in_dim3A_69 = vector.broadcast %jit3A_67 : f32 to vector<1280x1xf32>
    %broadcast_in_dim3A_70 = vector.broadcast %jit3A_68 : f32 to vector<1280x1xf32>
    %select_n3A_71 = arith.select %and3A_66, %broadcast_in_dim3A_69, %broadcast_in_dim3A_70 : vector<1280x1xi1>, vector<1280x1xf32>
    %mul3A_72 = vector.broadcast %select_n3A_71 : vector<1280x1xf32> to vector<1280x16xf32>
    %mul3A_73 = arith.mulf %get3A_1, %mul3A_72 : vector<1280x16xf32>
    %swap3A = arith.constant 0 : index
    %swap3A_74 = arith.constant 0 : index
    %swap3A_75 = vector.load %arg3[%swap3A, %swap3A_74] : memref<1280x16xf32, #tpu.memory_space<vmem>>, vector<1280x16xf32>
    tpu.vector_store %arg3[%swap3A, %swap3A_74], %mul3A_73 {strides = array<i32>} : memref<1280x16xf32, #tpu.memory_space<vmem>>, vector<1280x16xf32>,
    return
  }
  func.func @transform_0(%arg0: i32) -> (i32, i32) {
    %add3A = arith.constant 0 : i32
    %add3A_0 = arith.addi %arg0, %add3A : i32
    %c0_i32 = arith.constant 0 : i32
    %c0_i32_1 = arith.constant 0 : i32
    return %add3A_0, %c0_i32 : i32, i32
  }
  func.func @transform_1(%arg0: i32) -> (i32, i32) {
    %c0_i32 = arith.constant 0 : i32
    %c0_i32_0 = arith.constant 0 : i32
    %c0_i32_1 = arith.constant 0 : i32
    return %c0_i32, %c0_i32_0 : i32, i32
  }
  func.func @transform_2(%arg0: i32) -> (i32, i32) {
    %c0_i32 = arith.constant 0 : i32
    %c0_i32_0 = arith.constant 0 : i32
    return %arg0, %c0_i32 : i32, i32
  }
}

module attributes {stable_mosaic.version = 14 : i64} {
  func.func @_supp_body(%arg0: i32, %arg1: memref<1280x128xf32, #tpu.memory_space<vmem>>, %arg2: memref<8x5120xf32, #tpu.memory_space<vmem>>, %arg3: memref<1280x16xf32, #tpu.memory_space<vmem>>) attributes {dimension_semantics = [#tpu.dimension_semantics<arbitrary>], iteration_bounds = array<i64: 2>, scalar_prefetch = 0 : i64, scratch_operands = 0 : i64, tpu.core_type = #tpu.core_type<tc>, window_params = [{transform_indices = @transform_0, window_bounds = array<i64: 1280, 128>}, {pipeline_mode = #tpu.pipeline_mode<synchronous>, transform_indices = @transform_1, window_bounds = array<i64: 8, 5120>}, {transform_indices = @transform_2, window_bounds = array<i64: 1280, 16>}]} {
    %get3A = arith.constant 0 : index
    %get3A_0 = arith.constant 0 : index
    %get3A_1 = vector.load %arg1[%get3A, %get3A_0] : memref<1280x128xf32, #tpu.memory_space<vmem>>, vector<1280x16xf32>
    %slice3A = vector.extract_strided_slice %get3A_1 {offsets = [0, 0], sizes = [1280, 1], strides = [1, 1]} : vector<1280x16xf32> to vector<1280x1xf32>
    %slice3A_2 = vector.extract_strided_slice %get3A_1 {offsets = [0, 1], sizes = [1280, 1], strides = [1, 1]} : vector<1280x16xf32> to vector<1280x1xf32>
    %slice3A_3 = vector.extract_strided_slice %get3A_1 {offsets = [0, 2], sizes = [1280, 1], strides = [1, 1]} : vector<1280x16xf32> to vector<1280x1xf32>
    %slice3A_4 = vector.extract_strided_slice %get3A_1 {offsets = [0, 3], sizes = [1280, 1], strides = [1, 1]} : vector<1280x16xf32> to vector<1280x1xf32>
    %slice3A_5 = vector.extract_strided_slice %get3A_1 {offsets = [0, 4], sizes = [1280, 1], strides = [1, 1]} : vector<1280x16xf32> to vector<1280x1xf32>
    %sub3A = arith.subf %slice3A_3, %slice3A : vector<1280x1xf32>
    %sub3A_6 = arith.subf %slice3A_4, %slice3A_2 : vector<1280x1xf32>
    %mul3A = arith.mulf %sub3A, %sub3A_6 : vector<1280x1xf32>
    %mul3A_7 = arith.constant 3.750000e-01 : f32
    %mul3A_8 = vector.broadcast %mul3A_7 : f32 to vector<1280x1xf32>
    %mul3A_9 = arith.mulf %mul3A_8, %mul3A : vector<1280x1xf32>
    %mul3A_10 = arith.constant 1280 : i32
    %mul3A_11 = arith.muli %arg0, %mul3A_10 : i32
    %add3A = arith.constant 2560 : i32
    %add3A_12 = arith.addi %add3A, %mul3A_11 : i32
    %iota3A = tpu.iota {dimensions = array<i32: 0>} : vector<1280x1xi32>
    %add3A_13 = vector.broadcast %add3A_12 : i32 to vector<1280x1xi32>
    %add3A_14 = arith.addi %add3A_13, %iota3A : vector<1280x1xi32>
    %get3A_15 = arith.constant 0 : index
    %get3A_16 = arith.constant 0 : index
    %get3A_17 = vector.load %arg2[%get3A_15, %get3A_16] : memref<8x5120xf32, #tpu.memory_space<vmem>>, vector<1x5120xf32>
    %get3A_18 = arith.constant 1 : index
    %get3A_19 = arith.constant 0 : index
    %get3A_20 = vector.load %arg2[%get3A_18, %get3A_19] : memref<8x5120xf32, #tpu.memory_space<vmem>>, vector<1x5120xf32>
    %get3A_21 = arith.constant 2 : index
    %get3A_22 = arith.constant 0 : index
    %get3A_23 = vector.load %arg2[%get3A_21, %get3A_22] : memref<8x5120xf32, #tpu.memory_space<vmem>>, vector<1x5120xf32>
    %get3A_24 = arith.constant 3 : index
    %get3A_25 = arith.constant 0 : index
    %get3A_26 = vector.load %arg2[%get3A_24, %get3A_25] : memref<8x5120xf32, #tpu.memory_space<vmem>>, vector<1x5120xf32>
    %sub3A_27 = arith.subf %get3A_23, %get3A_17 : vector<1x5120xf32>
    %sub3A_28 = arith.subf %get3A_26, %get3A_20 : vector<1x5120xf32>
    %mul3A_29 = arith.mulf %sub3A_27, %sub3A_28 : vector<1x5120xf32>
    %mul3A_30 = arith.constant 3.750000e-01 : f32
    %mul3A_31 = vector.broadcast %mul3A_30 : f32 to vector<1x5120xf32>
    %mul3A_32 = arith.mulf %mul3A_31, %mul3A_29 : vector<1x5120xf32>
    %iota3A_33 = tpu.iota {dimensions = array<i32: 1>} : vector<1x5120xi32>
    %min3A = vector.broadcast %slice3A_3 : vector<1280x1xf32> to vector<1280x5120xf32>
    %min3A_34 = vector.broadcast %get3A_23 : vector<1x5120xf32> to vector<1280x5120xf32>
    %min3A_35 = arith.minimumf %min3A, %min3A_34 : vector<1280x5120xf32>
    %max3A = vector.broadcast %slice3A : vector<1280x1xf32> to vector<1280x5120xf32>
    %max3A_36 = vector.broadcast %get3A_17 : vector<1x5120xf32> to vector<1280x5120xf32>
    %max3A_37 = arith.maximumf %max3A, %max3A_36 : vector<1280x5120xf32>
    %sub3A_38 = arith.subf %min3A_35, %max3A_37 : vector<1280x5120xf32>
    %max3A_39 = arith.constant 0.000000e+00 : f32
    %max3A_40 = vector.broadcast %max3A_39 : f32 to vector<1280x5120xf32>
    %max3A_41 = arith.maximumf %sub3A_38, %max3A_40 : vector<1280x5120xf32>
    %min3A_42 = vector.broadcast %slice3A_4 : vector<1280x1xf32> to vector<1280x5120xf32>
    %min3A_43 = vector.broadcast %get3A_26 : vector<1x5120xf32> to vector<1280x5120xf32>
    %min3A_44 = arith.minimumf %min3A_42, %min3A_43 : vector<1280x5120xf32>
    %max3A_45 = vector.broadcast %slice3A_2 : vector<1280x1xf32> to vector<1280x5120xf32>
    %max3A_46 = vector.broadcast %get3A_20 : vector<1x5120xf32> to vector<1280x5120xf32>
    %max3A_47 = arith.maximumf %max3A_45, %max3A_46 : vector<1280x5120xf32>
    %sub3A_48 = arith.subf %min3A_44, %max3A_47 : vector<1280x5120xf32>
    %mul3A_49 = arith.mulf %max3A_41, %sub3A_48 : vector<1280x5120xf32>
    %add3A_50 = vector.broadcast %mul3A_9 : vector<1280x1xf32> to vector<1280x5120xf32>
    %add3A_51 = vector.broadcast %mul3A_32 : vector<1x5120xf32> to vector<1280x5120xf32>
    %add3A_52 = arith.addf %add3A_50, %add3A_51 : vector<1280x5120xf32>
    %gt3A = arith.cmpf ogt, %mul3A_49, %add3A_52 : vector<1280x5120xf32>
    %lt3A = vector.broadcast %iota3A_33 : vector<1x5120xi32> to vector<1280x5120xi32>
    %lt3A_53 = vector.broadcast %add3A_14 : vector<1280x1xi32> to vector<1280x5120xi32>
    %lt3A_54 = arith.cmpi slt, %lt3A, %lt3A_53 : vector<1280x5120xi32>
    %and3A = arith.andi %gt3A, %lt3A_54 : vector<1280x5120xi1>
    %jit3A = arith.constant 1.000000e+00 : f32
    %jit3A_55 = arith.constant 0.000000e+00 : f32
    %broadcast_in_dim3A = vector.broadcast %jit3A : f32 to vector<1280x5120xf32>
    %broadcast_in_dim3A_56 = vector.broadcast %jit3A_55 : f32 to vector<1280x5120xf32>
    %select_n3A = arith.select %and3A, %broadcast_in_dim3A, %broadcast_in_dim3A_56 : vector<1280x5120xi1>, vector<1280x5120xf32>
    %reduce_sum3A = arith.constant dense<0.000000e+00> : vector<1280xf32>
    %reduce_sum3A_57 = vector.multi_reduction <add>, %select_n3A, %reduce_sum3A [1] : vector<1280x5120xf32> to vector<1280xf32>
    %broadcast_in_dim3A_58 = vector.shape_cast %reduce_sum3A_57 : vector<1280xf32> to vector<1280x1xf32>
    %gt3A_59 = arith.constant 0.000000e+00 : f32
    %gt3A_60 = vector.broadcast %gt3A_59 : f32 to vector<1280x1xf32>
    %gt3A_61 = arith.cmpf ogt, %broadcast_in_dim3A_58, %gt3A_60 : vector<1280x1xf32>
    %not3A = arith.constant dense<true> : vector<1280x1xi1>
    %not3A_62 = arith.xori %gt3A_61, %not3A : vector<1280x1xi1>
    %gt3A_63 = arith.constant 5.000000e-02 : f32
    %gt3A_64 = vector.broadcast %gt3A_63 : f32 to vector<1280x1xf32>
    %gt3A_65 = arith.cmpf ogt, %slice3A_5, %gt3A_64 : vector<1280x1xf32>
    %and3A_66 = arith.andi %not3A_62, %gt3A_65 : vector<1280x1xi1>
    %jit3A_67 = arith.constant 1.000000e+00 : f32
    %jit3A_68 = arith.constant 0.000000e+00 : f32
    %broadcast_in_dim3A_69 = vector.broadcast %jit3A_67 : f32 to vector<1280x1xf32>
    %broadcast_in_dim3A_70 = vector.broadcast %jit3A_68 : f32 to vector<1280x1xf32>
    %select_n3A_71 = arith.select %and3A_66, %broadcast_in_dim3A_69, %broadcast_in_dim3A_70 : vector<1280x1xi1>, vector<1280x1xf32>
    %mul3A_72 = vector.broadcast %select_n3A_71 : vector<1280x1xf32> to vector<1280x16xf32>
    %mul3A_73 = arith.mulf %get3A_1, %mul3A_72 : vector<1280x16xf32>
    %swap3A = arith.constant 0 : index
    %swap3A_74 = arith.constant 0 : index
    %swap3A_75 = vector.load %arg3[%swap3A, %swap3A_74] : memref<1280x16xf32, #tpu.memory_space<vmem>>, vector<1280x16xf32>
    tpu.vector_store %arg3[%swap3A, %swap3A_74], %mul3A_73 {strides = array<i32>} : memref<1280x16xf32, #tpu.memory_space<vmem>>, vector<1280x16xf32>,
    return
  }
  func.func @transform_0(%arg0: i32) -> (i32, i32) {
    %add3A = arith.constant 2 : i32
    %add3A_0 = arith.addi %arg0, %add3A : i32
    %c0_i32 = arith.constant 0 : i32
    %c0_i32_1 = arith.constant 0 : i32
    return %add3A_0, %c0_i32 : i32, i32
  }
  func.func @transform_1(%arg0: i32) -> (i32, i32) {
    %c0_i32 = arith.constant 0 : i32
    %c0_i32_0 = arith.constant 0 : i32
    %c0_i32_1 = arith.constant 0 : i32
    return %c0_i32, %c0_i32_0 : i32, i32
  }
  func.func @transform_2(%arg0: i32) -> (i32, i32) {
    %c0_i32 = arith.constant 0 : i32
    %c0_i32_0 = arith.constant 0 : i32
    return %arg0, %c0_i32 : i32, i32
  }
}

</mosaic_0001>

<sc_bundles>
// kernel: kernel.6.cloned.1.call-start
scs
__scs_entry_jumppad:
0x0: {  	(pc) =	sbr.rel $0x88, $3  }
0x1: {  	(tag) =	ssettag $0x0;
	lr =	simm.s32 $0x1  }
0x2: {  	[smem:$0x3F9F] =	sst lr;
	_ =	strace $0xD0000000  }
0x3: {  	_ = 	snop  }
0x4: {  	_ = 	snop  }
0x5: {  	_ = 	snop  }
0x6: {  	_ = 	snop  }
0x7: {  	_ = 	snop  }
__scs_overlays_trampoline_lowered:
0x8: {  	[smem:$0x3FAE] =	sst s0  }
0x9: {  	[smem:$0x3FAF] =	sst s1  }
0xa: {  	[smem:$0x3FB0] =	sst s2  }
0xb: {  	[smem:$0x3FB1] =	sst s3  }
0xc: {  	[smem:$0x3FB2] =	sst s4  }
0xd: {  	[smem:$0x3FB3] =	sst s5  }
0xe: {  	[smem:$0x3FB4] =	sst s6  }
0xf: {  	[smem:$0x3FB5] =	sst s7  }
0x10: {  	[smem:$0x3FB6] =	sst s8  }
0x11: {  	[smem:$0x3FB7] =	sst s9;
	s0 =	simm.s32 @!p0 $0x0  }
0x12: {  	s1 =	sld [smem:$0x3F9D];
	s0 =	simm.s32 @p0 $0x1  }
0x13: {  	[smem:$0x3FB8] =	sst s0;
	s0 =	simm.s32 @!p1 $0x0  }
0x14: {  	s2 =	sld [smem:$0x3F9C];
	s0 =	simm.s32 @p1 $0x1  }
0x15: {  	[smem:$0x3FB9] =	sst s0;
	s0 =	simm.s32 @!p2 $0x0  }
0x16: {  	s3 =	sld [smem:$0x3FDB];
	s0 =	simm.s32 @p2 $0x1  }
0x17: {  	s4 =	simm.s32 $0x1BF5;
	[smem:$0x3FBB] =	sst s0  }
0x18: {  	s0 =	sld [smem:$0x3F9E];
	_ =	swait.ge [sflag:s4], $0x0  }
0x19: {  	s7 =	sld [smem:$0x3F9F]  }
0x1a: {  	s8 =	sadd.s32 $0xFFFFE003, lr  }
0x1b: {  	s9 =	sadd.s32 $0xFFFFFEF7, lr;
	s5 =	simm.s32 $0xFFFFFFFF;
	p2 =	slt.u32 s8, $0xFFFFF086  }
0x1c: {  	p1 =	slt.u32 s9, $0xF7A;
	s5 =	simm.s32 @!p2 $0x0  }
0x1d: {  	s5 =	simm.s32 @p1 $0x1;
	p0 =	seq.s32 s7, s2  }
0x1e: {  	s7 =	smul.u32 @!p0 $0xF7A, s2;
	p2 =	seq.s32 @!p0 s5, $0x0  }
0x1f: {  	s9 =	smul.u32 $0xF7A, s1;
	s8 =	simm.s32 @!p0 $0x1BF5;
	p2 =	por !p2, p0  }
0x20: {  	[sflag:s8] =	ssyncset.s32 @!p0 $0xFFFFF086;
	s6 =	sadd.s32 @!p0 s3, s7;
	s7 =	simm.s32 @!p0 $0x108  }
0x21: {  	s3 =	sadd.s32 s3, s9;
	s6 =	sadd.s32 @!p0 $0x88, s6;
	s7 =	simm.s32 @p2 $0x1082  }
0x22: {  	[simem:s7], [sflag:s8] =	dma.local @!p0 [hbm:s6], $0xF7A  }
0x23: {  	s9 =	sor.u32 $0xD0000000, s2;
	s6 =	simm.s32 $0x108;
	_ =	swait.ge @!p0 [sflag:s8], $0x0  }
0x24: {  	s3 =	sadd.s32 $0x88, s3;
	s6 =	simm.s32 @!p1 $0x1082;
	[sflag:s4] =	ssyncset.s32 $0xFFFFF086  }
0x25: {  	[simem:s6], [sflag:s4] =	dma.local [hbm:s3], $0xF7A  }
0x26: {  	[smem:$0x3F9F] =	sst s1;
	(tag) =	ssettag s2;
	_ =	strace s9  }
0x27: {  	s1 =	sld [smem:$0x3FAF]  }
0x28: {  	s2 =	sld [smem:$0x3FB0]  }
0x29: {  	s4 =	sld [smem:$0x3FB2]  }
0x2a: {  	p0 =	seq.s32 s5, $0x0;
	s5 =	sld [smem:$0x3FB3]  }
0x2b: {  	s6 =	sld [smem:$0x3FB4]  }
0x2c: {  	s7 =	sld [smem:$0x3FB5]  }
0x2d: {  	s3 =	simm.s32 $0x108;
	s8 =	sld [smem:$0x3FB6]  }
0x2e: {  	s3 =	simm.s32 @!p0 $0x1082;
	s9 =	sld [smem:$0x3FB7]  }
0x2f: {  	lr =	sadd.s32 s0, s3;
	s0 =	sld [smem:$0x3FAE]  }
0x30: {  	s3 =	sld [smem:$0x3FB1]  }
0x31: {  	[smem:$0x3FBA] =	sst s10  }
0x32: {  	s10 =	sld [smem:$0x3FB8];
	_ =	sdelay $0x3  }
0x33: {  	p0 =	seq.s32 s10, $0x1;
	s10 =	sld [smem:$0x3FBA];
	_ =	sdelay $0x3  }
0x34: {  	[smem:$0x3FBA] =	sst s10  }
0x35: {  	s10 =	sld [smem:$0x3FB9];
	_ =	sdelay $0x3  }
0x36: {  	p1 =	seq.s32 s10, $0x1;
	s10 =	sld [smem:$0x3FBA];
	_ =	sdelay $0x3  }
0x37: {  	[smem:$0x3FBA] =	sst s10  }
0x38: {  	s10 =	sld [smem:$0x3FBB]  }
0x39: {  	_ = 	snop;
	(pc) =	sbr.ind lr, $3  }
0x3a: {  	_ = 	snop  }
0x3b: {  	_ = 	snop  }
0x3c: {  	p2 =	seq.s32 s10, $0x1;
	s10 =	sld [smem:$0x3FBA]  }
0x3d: {  	_ =	shalt  }
0x3e: {  	_ =	shalt  }
0x3f: {  	_ =	shalt  }
0x40: {  	_ =	shalt  }
0x41: {  	_ =	shalt  }
0x42: {  	_ =	shalt  }
0x43: {  	_ =	shalt  }
0x44: {  	_ =	shalt  }
0x45: {  	_ =	shalt  }
0x46: {  	_ =	shalt  }
0x47: {  	_ =	shalt  }
0x48: {  	_ =	shalt  }
0x49: {  	_ =	shalt  }
0x4a: {  	_ =	shalt  }
0x4b: {  	_ =	shalt  }
0x4c: {  	_ =	shalt  }
0x4d: {  	_ =	shalt  }
0x4e: {  	_ =	shalt  }
0x4f: {  	_ =	shalt  }
0x50: {  	_ =	shalt  }
0x51: {  	_ =	shalt  }
0x52: {  	_ =	shalt  }
0x53: {  	_ =	shalt  }
0x54: {  	_ =	shalt  }
0x55: {  	_ =	shalt  }
0x56: {  	_ =	shalt  }
0x57: {  	_ =	shalt  }
0x58: {  	_ =	shalt  }
0x59: {  	_ =	shalt  }
0x5a: {  	_ =	shalt  }
0x5b: {  	_ =	shalt  }
0x5c: {  	_ =	shalt  }
0x5d: {  	_ =	shalt  }
0x5e: {  	_ =	shalt  }
0x5f: {  	_ =	shalt  }
0x60: {  	_ =	shalt  }
0x61: {  	_ =	shalt  }
0x62: {  	_ =	shalt  }
0x63: {  	_ =	shalt  }
0x64: {  	_ =	shalt  }
0x65: {  	_ =	shalt  }
0x66: {  	_ =	shalt  }
0x67: {  	_ =	shalt  }
0x68: {  	_ =	shalt  }
0x69: {  	_ =	shalt  }
0x6a: {  	_ =	shalt  }
0x6b: {  	_ =	shalt  }
0x6c: {  	_ =	shalt  }
0x6d: {  	_ =	shalt  }
0x6e: {  	_ =	shalt  }
0x6f: {  	_ =	shalt  }
0x70: {  	_ =	shalt  }
0x71: {  	_ =	shalt  }
0x72: {  	_ =	shalt  }
0x73: {  	_ =	shalt  }
0x74: {  	_ =	shalt  }
0x75: {  	_ =	shalt  }
0x76: {  	_ =	shalt  }
0x77: {  	_ =	shalt  }
0x78: {  	_ =	shalt  }
0x79: {  	_ =	shalt  }
0x7a: {  	_ =	shalt  }
0x7b: {  	_ =	shalt  }
0x7c: {  	_ =	shalt  }
0x7d: {  	_ =	shalt  }
0x7e: {  	_ =	shalt  }
0x7f: {  	_ =	shalt  }
0x80: {  	_ =	shalt  }
0x81: {  	_ =	shalt  }
0x82: {  	_ =	shalt  }
0x83: {  	_ =	shalt  }
0x84: {  	_ =	shalt  }
0x85: {  	_ =	shalt  }
0x86: {  	_ =	shalt  }
0x87: {  	_ =	shalt  }
.Lfunc_end0:
.L_simem_size_0:
called_computation_lowered:
.L_overlay_start_0:
0x88: {  	s2 =	sld [smem:$0x3FD9]  }
0x89: {  	s3 =	sld [smem:$0x3FFE];
	_ =	sdelay $0x1  }
0x8a: {  	s1 =	srdreg.scid  }
0x8b: {  	s0 =	sand.u32 $0x1, s1  }
0x8c: {  	s17 =	sshll.u32 s0, $0xA;
	s2 =	sadd.s32 s3, s2  }
0x8d: {  	s2 =	sadd.s32 s2, s17  }
0x8e: {  	[smem:$0x3FC6] =	sst s2  }
0x8f: {  	_ = 	snop  }
0x90: {  	s2 =	sld [smem:$0x3FD0];
	(tm) =	ssettm $0x1  }
0x91: {  	s18 =	sld [smem:$0x3FFB];
	_ =	sdelay $0x3  }
0x92: {  	_ =	strace s18  }
0x93: {  	s3 =	sld [smem:$0x3FFC];
	_ =	sdelay $0x3  }
0x94: {  	_ =	strace s3  }
0x95: {  	s3 =	sld [smem:$0x3FFD];
	_ =	sdelay $0x3  }
0x96: {  	_ =	strace s3  }
0x97: {  	_ =	strace $0x8FFFFFFF  }
0x98: {  	s19 =	sld [smem:$0x3FDB];
	_ =	sdelay $0x1  }
0x99: {  	s4 =	simm.s32 $_scs_section_size  }
0x9a: {  	s5 =	simm.s32 $_size__tile_overlayer_lowered;
	s6 =	simm.s32 $_tile_overlayer_lowered  }
0x9b: {  	s22 =	simm.s32 $0x1BFF;
	s21 =	sshll.u32 s6, $0x1;
	s3 =	sadd.s32 s4, s19  }
0x9c: {  	s7 =	simm.s32 $0x0;
	s20 =	sshll.u32 s5, $0x1;
	s5 =	sadd.s32 s21, s3  }
0x9d: {  	[timem:s7], [sflag:s22] =	dma.local [hbm:s5], s20  }
0x9e: {  	_ =	swait.ge [sflag:s22], s20  }
0x9f: {  	s4 =	ssub.s32 $0x0, s20;
	[sflag:s22] =	ssyncset.done $0x0  }
0xa0: {  	[sflag:s22] =	ssyncadd.s32 s4;
	_ =	sdelay $0x1  }
0xa1: {  	s23 =	simm.s32 $0x1B8B  }
0xa2: {  	_ =	swait.ge [sflag:s23], $0x1  }
0xa3: {  	[sflag:s23] =	ssyncset.done $0x0  }
0xa4: {  	s25 =	simm.s32 $0x1B8E;
	s24 =	sld [smem:$0x3FFE];
	[sflag:s23] =	ssyncadd.s32 $0xFFFFFFFF  }
0xa5: {  	s26 =	simm.s32 $execute0_lowered;
	[smem:$0x3FD2] =	sst s25  }
0xa6: {  	s5 =	sshll.u32 s26, $0x1;
	_ =	strace $0x80000046;
	[dreg:$0x1] =	wrdreg $0xFFFFFFFF  }
0xa7: {  	s28 =	simm.s32 $_size_execute0_lowered;
	s3 =	sadd.s32 s3, s5;
	[dreg:$0x0] =	wrdreg $0x0  }
0xa8: {  	s5 =	sshll.u32 s28, $0x1;
	[dreg:$0x2] =	wrdreg s3  }
0xa9: {  	[dreg:$0x3] =	wrdreg s5  }
0xaa: {  	[dreg:$0x4] =	wrdreg $0xC0  }
0xab: {  	_ =	task [dreg:s7], $0x5FFFF  }
0xac: {  	[dreg:$0x1] =	wrdreg $0xFFFFFFFF  }
0xad: {  	[dreg:$0x0] =	wrdreg $0x60  }
0xae: {  	[dreg:$0x2] =	wrdreg s2  }
0xaf: {  	[dreg:$0x3] =	wrdreg s24  }
0xb0: {  	[dreg:$0x4] =	wrdreg $0x9  }
0xb1: {  	_ =	task.clear_ibuf [dreg:s7], $0x5FFFF;
	_ =	strace $0x90000046  }
0xb2: {  	s29 =	simm.s32 $0x9;
	_ =	strace $0x80000048  }
0xb3: {  	_ =	swait.ge [sflag:s29], $0x1  }
0xb4: {  	[sflag:s29] =	ssyncadd.s32 $0xFFFFFFFF  }
0xb5: {  	_ =	strace $0x90000048  }
0xb6: {  	_ =	sfence  }
0xb7: {  	s30 =	sld [smem:$0x0];
	_ =	sdelay $0x2  }
0xb8: {  	s31 =	sshll.u32 s1, $0xD;
	s1 =	sshrl.u32 s1, $0x2  }
0xb9: {  	s3 =	sand.u32 $0x4000, s31;
	s1 =	sadd.s32 s1, s30  }
0xba: {  	s0 =	sor.u32 s3, s0;
	s1 =	sshll.u32 s1, $0x11  }
0xbb: {  	s0 =	sor.u32 s1, s0  }
0xbc: {  	s0 =	sadd.s32 $0x8F2B, s0  }
0xbd: {  	[sflag:s0] =	ssyncadd.remote.s32 $0x1  }
0xbe: {  	_ =	sfence.sel $0xFFFF  }
0xbf: {  	[dreg:$0x0] =	wrdreg $0xFFFFFFFF;
	(pc) =	sbr.abs _section_cstart, $3  }
0xc0: {  	[dreg:$0x1] =	wrdreg $0xFFFFFFFF  }
0xc1: {  	_ =	task.clear_ibuf [dreg:s7], $0x2FFFF;
	_ =	strace $0x9FFFFFFF  }
0xc2: {  	(tm) =	ssettm $0x7FFFFFFF  }
0xc3: {  	_ =	shalt  }
tec
execute0_lowered:
.L_overlay_start_1:
0x0: {  	(tag) =	ssettag $0x1  }
0x1: {  	s1 =	srdreg.scid;
	s0 =	stileid.u32  }
0x2: {  	s6 =	rddreg [dreg:$0x0];
	s13 =	sand.u32 $0x1, s1;
	s30 =	sshll.u32 s0, $0x1  }
0x3: {  	s11 =	rddreg [dreg:$0x1];
	s4 =	sor.u32 s13, s30  }
0x4: {  	s2 =	simm.s32 $0x0;
	s1 =	rddreg [dreg:$0x2];
	s5 =	smul.u32 $0xA0, s4  }
0x5: {  	[smem:$0x7FF] =	sst s2  }
0x6: {  	s8 =	sadd.s32 $0x800, s11;
	_ =	strace $0x80000047;
	s3 =	sshrl.u32 s5, $0x3  }
0x7: {  	s4 =	smul.u32 $0xA00, s4;
	s7 =	sadd.s32 $0x50, s5;
	s3 =	sadd.s32 s6, s3  }
0x8: {  	[tilespmem:s2], [sflag:$0x1] =	stream.linear.gather [hbm4b:s3+s2], $0x50, $0x38;
	[tilespmem:$0x5100] =	vst v63  }
0x9: {  	s4 =	sadd.s32 s8, s4;
	s5 =	simm.s32 $0x100;
	s9 =	sshrl.u32 s7, $0x3  }
0xa: {  	[tilespmem:s5], [sflag:$0x1] =	stream.linear.gather [hbm4b:s4+s2], $0x2800, $0x38;
	[tilespmem:$0x5100] =	vst v63  }
0xb: {  	s31 =	sshll.u32 s7, $0x4;
	s7 =	simm.s32 $0x80;
	s6 =	sadd.s32 s6, s9  }
0xc: {  	[tilespmem:s7], [sflag:$0x1] =	stream.linear.gather [hbm4b:s6+s2], $0x50, $0x38;
	[tilespmem:$0x5100] =	vst v63  }
0xd: {  	s10 =	simm.s32 $0x2900;
	s8 =	sadd.s32 s8, s31;
	s9 =	simm.s32 $0x1  }
0xe: {  	[tilespmem:s10], [sflag:$0x1] =	stream.linear.gather [hbm4b:s8+s2], $0x2800, $0x38;
	[tilespmem:$0x5100] =	vst v63  }
0xf: {  	_ =	swait.ge [sflag:s9], $0x50  }
0x10: {  	[sflag:s9] =	ssyncset.done $0x0  }
0x11: {  	[sflag:s9] =	ssyncadd.s32 $0xFFFFFFB0  }
0x12: {  	_ =	swait.ge [sflag:s9], $0x2800  }
0x13: {  	[sflag:s9] =	ssyncset.done $0x0  }
0x14: {  	[sflag:s9] =	ssyncadd.s32 $0xFFFFD800  }
0x15: {  	_ =	swait.ge [sflag:s9], $0x50  }
0x16: {  	[sflag:s9] =	ssyncset.done $0x0  }
0x17: {  	s13 =	ssub.s32 $0x2, s13;
	[sflag:s9] =	ssyncadd.s32 $0xFFFFFFB0  }
0x18: {  	s14 =	sshrl.u32 s13, $0x1;
	_ =	swait.ge [sflag:s9], $0x2800  }
0x19: {  	s12 =	simm.s32 $0x50;
	s13 =	ssub.s32 s13, s14;
	[sflag:s9] =	ssyncset.done $0x0  }
0x1a: {  	s11 =	sadd.s32 $0x14800, s11;
	s13 =	smax.u32 s13, $0x1;
	[sflag:s9] =	ssyncadd.s32 $0xFFFFD800  }
0x1b: {  	[hbm4b:s11+s12] =	stream.indirect.scatter [tilespmem:s5], [sflag:$0x1], $0x80, s2, s12, $0xb8;
	[tilespmem:$0x5100] =	vst v63  }
0x1c: {  	p0 =	sne.s32 s13, $0x1  }
0x1d: {  	[hbm4b:s11+s12] =	stream.indirect.scatter [tilespmem:s10], [sflag:$0x1], $0x80, s7, s12, $0xb8;
	[tilespmem:$0x5100] =	vst v63  }
.Ltmp0:
0x1e: {  	_ =	swait.ge [sflag:s9], $0x2800;
	(pc) =	sbr.rel @!p0 .LBB2_2-.Ltmp0, $4  }
0x1f: {  	[sflag:s9] =	ssyncset.done $0x0  }
0x20: {  	[sflag:s9] =	ssyncadd.s32 $0xFFFFD800  }
0x21: {  	_ =	swait.ge [sflag:s9], $0x2800  }
0x22: {  	s13 =	sadd.s32 $0xFFFFFFFF, s13;
	[sflag:s9] =	ssyncset.done $0x0  }
.LBB2_1:
0x23: {  	p0 =	sne.s32 s13, $0x1;
	s13 =	sadd.s32 $0xFFFFFFFF, s13;
	[sflag:s9] =	ssyncadd.s32 $0xFFFFD800  }
0x24: {  	[tilespmem:s2], [sflag:$0x1] =	stream.linear.gather [hbm4b:s3+s2], $0x50, $0x38;
	[tilespmem:$0x5100] =	vst v63  }
0x25: {  	_ = 	snop  }
0x26: {  	[tilespmem:s5], [sflag:$0x1] =	stream.linear.gather [hbm4b:s4+s2], $0x2800, $0x38;
	[tilespmem:$0x5100] =	vst v63  }
0x27: {  	_ = 	snop  }
0x28: {  	[tilespmem:s7], [sflag:$0x1] =	stream.linear.gather [hbm4b:s6+s2], $0x50, $0x38;
	[tilespmem:$0x5100] =	vst v63  }
0x29: {  	_ = 	snop  }
0x2a: {  	[tilespmem:s10], [sflag:$0x1] =	stream.linear.gather [hbm4b:s8+s2], $0x2800, $0x38;
	[tilespmem:$0x5100] =	vst v63  }
0x2b: {  	_ =	swait.ge [sflag:s9], $0x50  }
0x2c: {  	[sflag:s9] =	ssyncset.done $0x0  }
0x2d: {  	[sflag:s9] =	ssyncadd.s32 $0xFFFFFFB0  }
0x2e: {  	_ =	swait.ge [sflag:s9], $0x2800  }
0x2f: {  	[sflag:s9] =	ssyncset.done $0x0  }
0x30: {  	[sflag:s9] =	ssyncadd.s32 $0xFFFFD800  }
0x31: {  	_ =	swait.ge [sflag:s9], $0x50  }
0x32: {  	[sflag:s9] =	ssyncset.done $0x0  }
0x33: {  	[sflag:s9] =	ssyncadd.s32 $0xFFFFFFB0  }
0x34: {  	_ =	swait.ge [sflag:s9], $0x2800  }
0x35: {  	[sflag:s9] =	ssyncset.done $0x0  }
0x36: {  	[sflag:s9] =	ssyncadd.s32 $0xFFFFD800  }
0x37: {  	[hbm4b:s11+s12] =	stream.indirect.scatter [tilespmem:s5], [sflag:$0x1], $0x80, s2, s12, $0xb8;
	[tilespmem:$0x5100] =	vst v63  }
0x38: {  	_ = 	snop  }
0x39: {  	[hbm4b:s11+s12] =	stream.indirect.scatter [tilespmem:s10], [sflag:$0x1], $0x80, s7, s12, $0xb8;
	[tilespmem:$0x5100] =	vst v63  }
.Ltmp1:
0x3a: {  	_ =	swait.ge [sflag:s9], $0x2800;
	(pc) =	sbr.rel @p0 .LBB2_1-.Ltmp1, $4  }
0x3b: {  	[sflag:s9] =	ssyncset.done $0x0  }
0x3c: {  	[sflag:s9] =	ssyncadd.s32 $0xFFFFD800  }
0x3d: {  	_ =	swait.ge [sflag:s9], $0x2800  }
0x3e: {  	[sflag:s9] =	ssyncset.done $0x0  }
.LBB2_2:
0x3f: {  	[sflag:s9] =	ssyncadd.s32 $0xFFFFD800  }
0x40: {  	_ =	sfence.sel $0x180000  }
0x41: {  	[bflag:$0x0] =	sbarrier.arrive $0xFFFF  }
0x42: {  	p0 =	sne.s32 s0, $0x0;
	_ =	strace $0x90000047  }
0x43: {  	s0 =	sadd.s32 @!p0 $0x100000, s1;
	[bflag:$0x2] =	sbarrier.arrive $0xFFFF  }
0x44: {  	[sflag:s0] =	ssyncadd.tile.s32 @!p0 $0x1;
	_ =	shalt  }
.Lfunc_end2:
_tile_overlayer_lowered:
.L_overlay_start_2:
0x45: {  	(tag) =	ssettag $0x2  }
0x46: {  	s0 =	rddreg [dreg:$0x0];
	s2 =	stileid.u32  }
0x47: {  	s1 =	rddreg [dreg:$0x1];
	p0 =	sne.s32 s2, $0x0  }
0x48: {  	s3 =	rddreg [dreg:$0x2];
	[bflag:$0x3] =	sbarrier.arrive $0xFFFF;
	s2 =	simm.s32 @!p0 $0x1C02  }
0x49: {  	[timem:s3], [sflag:s2] =	dma.local @!p0 [hbm:s0], s1  }
0x4a: {  	s0 =	simm.s32 @!p0 $0x2  }
0x4b: {  	_ =	swait.ge @!p0 [sflag:s0], s1  }
0x4c: {  	s1 =	ssub.s32 @!p0 $0x0, s1;
	[sflag:s0] =	ssyncset.done @!p0 $0x0  }
0x4d: {  	[sflag:s0] =	ssyncadd.s32 @!p0 s1  }
0x4e: {  	[bflag:$0x3] =	sbarrier.arrive $0xFFFF  }
0x4f: {  	_ =	shalt  }

</sc_bundles>
